<compile_context>
chip_gen: v7x
topology: tpu7x:2x2x1
jax: 0.10.2.dev20260603
libtpu: 0.0.44.dev20260713+nightly
codegen_flags: <defaults>
</compile_context>

<pallas_src>
import jax
import jax.numpy as jnp
from jax import lax
from jax.experimental import pallas as pl
from jax.experimental.pallas import tpu as pltpu

B = 1024
D = 32


def _gather_body(uids_ref, iids_ref, ublk, qblk, u_out, q_out):
    u_out[...] = ublk[...]
    q_out[...] = qblk[...]


def _sel_iota_mask(ids):
    sel = lax.rem(ids, jnp.int32(8)).reshape(B, 1)
    return sel


def _dense_body(u8_ref, q8_ref, uid_ref, iid_ref, w1t_ref, b1_ref, w2t_ref,
                b2_ref, preds_ref, score_ref):
    usel = _sel_iota_mask(uid_ref[...])
    qsel = _sel_iota_mask(iid_ref[...])
    u = jnp.zeros((B, D), dtype=jnp.float32)
    q = jnp.zeros((B, D), dtype=jnp.float32)
    for k in range(8):
        u = jnp.where(usel == k, u8_ref[:, k, :], u)
        q = jnp.where(qsel == k, q8_ref[:, k, :], q)
    uq = u * q
    ones = jnp.ones((B, D), dtype=jnp.float32)
    preds = lax.dot_general(
        ones, uq, (((1,), (1,)), ((), ())),
        preferred_element_type=jnp.float32,
    )
    preds_ref[...] = preds
    cat = jnp.concatenate([u, q, uq], axis=1)
    h = lax.dot_general(
        cat, w1t_ref[...], (((1,), (0,)), ((), ())),
        preferred_element_type=jnp.float32,
    )
    h = jnp.maximum(h + b1_ref[...], 0.0)
    s = lax.dot_general(
        h, w2t_ref[...], (((1,), (0,)), ((), ())),
        preferred_element_type=jnp.float32,
    )
    score_ref[...] = jnp.maximum(s + b2_ref[...], 0.0)


def kernel(user_emb, item_emb, user_bias, item_bias, W1, bias1, W2, bias2,
           user_ids, item_ids):
    del user_bias, item_bias
    uids = user_ids.astype(jnp.int32)
    iids = item_ids.astype(jnp.int32)

    u8 = jnp.take(user_emb.reshape(-1, 8, D), uids // 8, axis=0)
    q8 = jnp.take(item_emb.reshape(-1, 8, D), iids // 8, axis=0)

    return pl.pallas_call(
        _dense_body,
        out_shape=(
            jax.ShapeDtypeStruct((B, B), jnp.float32),
            jax.ShapeDtypeStruct((B, 1), jnp.float32),
        ),
    )(u8, q8, uids.reshape(B, 1), iids.reshape(B, 1),
      W1.T, bias1.reshape(1, 64), W2.T, bias2.reshape(1, 1))

# --- scband reference (transcript-rebuilt; emitter-appended) ---
"""Pipeline reference for scband-multi-task-net-76184129896838 (READ-ONLY COPY).

The authoritative reference and input builder live on the scoring server;
editing this copy changes nothing except your own understanding.
"""

import jax, jax.numpy as jnp
import numpy as np

NUM_USERS = 1000000
NUM_ITEMS = 1000000
EMBED_DIM = 32
BATCH = 1024


def setup_inputs(seed: int = 0) -> dict:
    key = jax.random.key(seed)
    ks = jax.random.split(key, 8)
    user_ids = jax.random.randint(ks[0], (BATCH,), 0, NUM_USERS, dtype=jnp.int32).astype(jnp.int64) if False else jax.random.randint(ks[0], (BATCH,), 0, NUM_USERS)
    item_ids = jax.random.randint(ks[1], (BATCH,), 0, NUM_ITEMS)
    # ScaledEmbedding: normal(0, 1/embedding_dim)
    user_emb = jax.random.normal(ks[2], (NUM_USERS, EMBED_DIM), dtype=jnp.float32) * (1.0 / EMBED_DIM)
    item_emb = jax.random.normal(ks[3], (NUM_ITEMS, EMBED_DIM), dtype=jnp.float32) * (1.0 / EMBED_DIM)
    # ZeroEmbedding biases
    user_bias = jnp.zeros((NUM_USERS, 1), dtype=jnp.float32)
    item_bias = jnp.zeros((NUM_ITEMS, 1), dtype=jnp.float32)
    # hidden Linear(96 -> 64), output Linear(64 -> 1), torch default uniform init
    b1 = 1.0 / np.sqrt(96.0)
    W1 = jax.random.uniform(ks[4], (64, 96), dtype=jnp.float32, minval=-b1, maxval=b1)
    bias1 = jax.random.uniform(ks[5], (64,), dtype=jnp.float32, minval=-b1, maxval=b1)
    b2 = 1.0 / np.sqrt(64.0)
    W2 = jax.random.uniform(ks[6], (1, 64), dtype=jnp.float32, minval=-b2, maxval=b2)
    bias2 = jax.random.uniform(ks[7], (1,), dtype=jnp.float32, minval=-b2, maxval=b2)
    return {
        'user_emb': user_emb,
        'item_emb': item_emb,
        'user_bias': user_bias,
        'item_bias': item_bias,
        'W1': W1,
        'bias1': bias1,
        'W2': W2,
        'bias2': bias2,
        'user_ids': user_ids,
        'item_ids': item_ids,
    }


def reference(user_emb, item_emb, user_bias, item_bias, W1, bias1, W2, bias2, user_ids, item_ids):
    # embedding_sharing=True: u_pred/q_pred alias u_score/q_score
    u = jnp.take(user_emb, user_ids, axis=0)          # [B, D]
    q = jnp.take(item_emb, item_ids, axis=0)          # [B, D]
    ub = jnp.take(user_bias, user_ids, axis=0)        # [B, 1]
    ib = jnp.take(item_bias, item_ids, axis=0)        # [B, 1]
    # Faithful to torch broadcasting: [B] + [B,1] -> [B,B]
    predictions = jnp.sum(u * q, axis=1) + ub + ib
    score = jnp.concatenate((u, q, u * q), axis=1)    # [B, 96]
    score = jax.nn.relu(score @ W1.T + bias1)
    score = score @ W2.T + bias2
    score = jax.nn.relu(score)                        # [B, 1]
    return (predictions, score)

if __name__ == "__main__":
    import jax
    _d = setup_inputs()
    print(jax.jit(kernel)(*tuple(_d.values())))

</pallas_src>

<mosaic_0001>
module attributes {stable_mosaic.version = 14 : i64} {
  func.func @_dense_body(%arg0: memref<1024x8x32xf32, #tpu.memory_space<vmem>>, %arg1: memref<1024x8x32xf32, #tpu.memory_space<vmem>>, %arg2: memref<1024x1xi32, #tpu.memory_space<vmem>>, %arg3: memref<1024x1xi32, #tpu.memory_space<vmem>>, %arg4: memref<96x64xf32, #tpu.memory_space<vmem>>, %arg5: memref<1x64xf32, #tpu.memory_space<vmem>>, %arg6: memref<64x1xf32, #tpu.memory_space<vmem>>, %arg7: memref<1x1xf32, #tpu.memory_space<vmem>>, %arg8: memref<1024x1024xf32, #tpu.memory_space<vmem>>, %arg9: memref<1024x1xf32, #tpu.memory_space<vmem>>) attributes {dimension_semantics = [], scalar_prefetch = 0 : i64, scratch_operands = 0 : i64, tpu.core_type = #tpu.core_type<tc>} {
    %get3A = arith.constant 0 : index
    %get3A_0 = arith.constant 0 : index
    %get3A_1 = vector.load %arg2[%get3A, %get3A_0] : memref<1024x1xi32, #tpu.memory_space<vmem>>, vector<1024x1xi32>
    %rem3A = arith.constant 8 : i32
    %rem3A_2 = vector.broadcast %rem3A : i32 to vector<1024x1xi32>
    %rem3A_3 = arith.remsi %get3A_1, %rem3A_2 : vector<1024x1xi32>
    %get3A_4 = arith.constant 0 : index
    %get3A_5 = arith.constant 0 : index
    %get3A_6 = vector.load %arg3[%get3A_4, %get3A_5] : memref<1024x1xi32, #tpu.memory_space<vmem>>, vector<1024x1xi32>
    %rem3A_7 = arith.constant 8 : i32
    %rem3A_8 = vector.broadcast %rem3A_7 : i32 to vector<1024x1xi32>
    %rem3A_9 = arith.remsi %get3A_6, %rem3A_8 : vector<1024x1xi32>
    %broadcast_in_dim3A = arith.constant 0.000000e+00 : f32
    %broadcast_in_dim3A_10 = vector.broadcast %broadcast_in_dim3A : f32 to vector<1024x32xf32>
    %broadcast_in_dim3A_11 = arith.constant 0.000000e+00 : f32
    %broadcast_in_dim3A_12 = vector.broadcast %broadcast_in_dim3A_11 : f32 to vector<1024x32xf32>
    %eq3A = arith.constant 0 : i32
    %eq3A_13 = vector.broadcast %eq3A : i32 to vector<1024x1xi32>
    %eq3A_14 = arith.cmpi eq, %rem3A_3, %eq3A_13 : vector<1024x1xi32>
    %get3A_15 = arith.constant 0 : index
    %get3A_16 = arith.constant 0 : index
    %get3A_17 = arith.constant 0 : index
    %get3A_18 = vector.load %arg0[%get3A_15, %get3A_16, %get3A_17] : memref<1024x8x32xf32, #tpu.memory_space<vmem>>, vector<1024x1x32xf32>
    %get3A_19 = vector.shape_cast %get3A_18 : vector<1024x1x32xf32> to vector<1024x32xf32>
    %broadcast_in_dim3A_20 = vector.shape_cast %eq3A_14 : vector<1024x1xi1> to vector<1024x1xi1>
    %broadcast_in_dim3A_21 = vector.broadcast %broadcast_in_dim3A_20 : vector<1024x1xi1> to vector<1024x32xi1>
    %select_n3A = arith.select %broadcast_in_dim3A_21, %get3A_19, %broadcast_in_dim3A_10 : vector<1024x32xi1>, vector<1024x32xf32>
    %eq3A_22 = arith.constant 0 : i32
    %eq3A_23 = vector.broadcast %eq3A_22 : i32 to vector<1024x1xi32>
    %eq3A_24 = arith.cmpi eq, %rem3A_9, %eq3A_23 : vector<1024x1xi32>
    %get3A_25 = arith.constant 0 : index
    %get3A_26 = arith.constant 0 : index
    %get3A_27 = arith.constant 0 : index
    %get3A_28 = vector.load %arg1[%get3A_25, %get3A_26, %get3A_27] : memref<1024x8x32xf32, #tpu.memory_space<vmem>>, vector<1024x1x32xf32>
    %get3A_29 = vector.shape_cast %get3A_28 : vector<1024x1x32xf32> to vector<1024x32xf32>
    %broadcast_in_dim3A_30 = vector.shape_cast %eq3A_24 : vector<1024x1xi1> to vector<1024x1xi1>
    %broadcast_in_dim3A_31 = vector.broadcast %broadcast_in_dim3A_30 : vector<1024x1xi1> to vector<1024x32xi1>
    %select_n3A_32 = arith.select %broadcast_in_dim3A_31, %get3A_29, %broadcast_in_dim3A_12 : vector<1024x32xi1>, vector<1024x32xf32>
    %eq3A_33 = arith.constant 1 : i32
    %eq3A_34 = vector.broadcast %eq3A_33 : i32 to vector<1024x1xi32>
    %eq3A_35 = arith.cmpi eq, %rem3A_3, %eq3A_34 : vector<1024x1xi32>
    %get3A_36 = arith.constant 0 : index
    %get3A_37 = arith.constant 1 : index
    %get3A_38 = arith.constant 0 : index
    %get3A_39 = vector.load %arg0[%get3A_36, %get3A_37, %get3A_38] : memref<1024x8x32xf32, #tpu.memory_space<vmem>>, vector<1024x1x32xf32>
    %get3A_40 = vector.shape_cast %get3A_39 : vector<1024x1x32xf32> to vector<1024x32xf32>
    %broadcast_in_dim3A_41 = vector.shape_cast %eq3A_35 : vector<1024x1xi1> to vector<1024x1xi1>
    %broadcast_in_dim3A_42 = vector.broadcast %broadcast_in_dim3A_41 : vector<1024x1xi1> to vector<1024x32xi1>
    %select_n3A_43 = arith.select %broadcast_in_dim3A_42, %get3A_40, %select_n3A : vector<1024x32xi1>, vector<1024x32xf32>
    %eq3A_44 = arith.constant 1 : i32
    %eq3A_45 = vector.broadcast %eq3A_44 : i32 to vector<1024x1xi32>
    %eq3A_46 = arith.cmpi eq, %rem3A_9, %eq3A_45 : vector<1024x1xi32>
    %get3A_47 = arith.constant 0 : index
    %get3A_48 = arith.constant 1 : index
    %get3A_49 = arith.constant 0 : index
    %get3A_50 = vector.load %arg1[%get3A_47, %get3A_48, %get3A_49] : memref<1024x8x32xf32, #tpu.memory_space<vmem>>, vector<1024x1x32xf32>
    %get3A_51 = vector.shape_cast %get3A_50 : vector<1024x1x32xf32> to vector<1024x32xf32>
    %broadcast_in_dim3A_52 = vector.shape_cast %eq3A_46 : vector<1024x1xi1> to vector<1024x1xi1>
    %broadcast_in_dim3A_53 = vector.broadcast %broadcast_in_dim3A_52 : vector<1024x1xi1> to vector<1024x32xi1>
    %select_n3A_54 = arith.select %broadcast_in_dim3A_53, %get3A_51, %select_n3A_32 : vector<1024x32xi1>, vector<1024x32xf32>
    %eq3A_55 = arith.constant 2 : i32
    %eq3A_56 = vector.broadcast %eq3A_55 : i32 to vector<1024x1xi32>
    %eq3A_57 = arith.cmpi eq, %rem3A_3, %eq3A_56 : vector<1024x1xi32>
    %get3A_58 = arith.constant 0 : index
    %get3A_59 = arith.constant 2 : index
    %get3A_60 = arith.constant 0 : index
    %get3A_61 = vector.load %arg0[%get3A_58, %get3A_59, %get3A_60] : memref<1024x8x32xf32, #tpu.memory_space<vmem>>, vector<1024x1x32xf32>
    %get3A_62 = vector.shape_cast %get3A_61 : vector<1024x1x32xf32> to vector<1024x32xf32>
    %broadcast_in_dim3A_63 = vector.shape_cast %eq3A_57 : vector<1024x1xi1> to vector<1024x1xi1>
    %broadcast_in_dim3A_64 = vector.broadcast %broadcast_in_dim3A_63 : vector<1024x1xi1> to vector<1024x32xi1>
    %select_n3A_65 = arith.select %broadcast_in_dim3A_64, %get3A_62, %select_n3A_43 : vector<1024x32xi1>, vector<1024x32xf32>
    %eq3A_66 = arith.constant 2 : i32
    %eq3A_67 = vector.broadcast %eq3A_66 : i32 to vector<1024x1xi32>
    %eq3A_68 = arith.cmpi eq, %rem3A_9, %eq3A_67 : vector<1024x1xi32>
    %get3A_69 = arith.constant 0 : index
    %get3A_70 = arith.constant 2 : index
    %get3A_71 = arith.constant 0 : index
    %get3A_72 = vector.load %arg1[%get3A_69, %get3A_70, %get3A_71] : memref<1024x8x32xf32, #tpu.memory_space<vmem>>, vector<1024x1x32xf32>
    %get3A_73 = vector.shape_cast %get3A_72 : vector<1024x1x32xf32> to vector<1024x32xf32>
    %broadcast_in_dim3A_74 = vector.shape_cast %eq3A_68 : vector<1024x1xi1> to vector<1024x1xi1>
    %broadcast_in_dim3A_75 = vector.broadcast %broadcast_in_dim3A_74 : vector<1024x1xi1> to vector<1024x32xi1>
    %select_n3A_76 = arith.select %broadcast_in_dim3A_75, %get3A_73, %select_n3A_54 : vector<1024x32xi1>, vector<1024x32xf32>
    %eq3A_77 = arith.constant 3 : i32
    %eq3A_78 = vector.broadcast %eq3A_77 : i32 to vector<1024x1xi32>
    %eq3A_79 = arith.cmpi eq, %rem3A_3, %eq3A_78 : vector<1024x1xi32>
    %get3A_80 = arith.constant 0 : index
    %get3A_81 = arith.constant 3 : index
    %get3A_82 = arith.constant 0 : index
    %get3A_83 = vector.load %arg0[%get3A_80, %get3A_81, %get3A_82] : memref<1024x8x32xf32, #tpu.memory_space<vmem>>, vector<1024x1x32xf32>
    %get3A_84 = vector.shape_cast %get3A_83 : vector<1024x1x32xf32> to vector<1024x32xf32>
    %broadcast_in_dim3A_85 = vector.shape_cast %eq3A_79 : vector<1024x1xi1> to vector<1024x1xi1>
    %broadcast_in_dim3A_86 = vector.broadcast %broadcast_in_dim3A_85 : vector<1024x1xi1> to vector<1024x32xi1>
    %select_n3A_87 = arith.select %broadcast_in_dim3A_86, %get3A_84, %select_n3A_65 : vector<1024x32xi1>, vector<1024x32xf32>
    %eq3A_88 = arith.constant 3 : i32
    %eq3A_89 = vector.broadcast %eq3A_88 : i32 to vector<1024x1xi32>
    %eq3A_90 = arith.cmpi eq, %rem3A_9, %eq3A_89 : vector<1024x1xi32>
    %get3A_91 = arith.constant 0 : index
    %get3A_92 = arith.constant 3 : index
    %get3A_93 = arith.constant 0 : index
    %get3A_94 = vector.load %arg1[%get3A_91, %get3A_92, %get3A_93] : memref<1024x8x32xf32, #tpu.memory_space<vmem>>, vector<1024x1x32xf32>
    %get3A_95 = vector.shape_cast %get3A_94 : vector<1024x1x32xf32> to vector<1024x32xf32>
    %broadcast_in_dim3A_96 = vector.shape_cast %eq3A_90 : vector<1024x1xi1> to vector<1024x1xi1>
    %broadcast_in_dim3A_97 = vector.broadcast %broadcast_in_dim3A_96 : vector<1024x1xi1> to vector<1024x32xi1>
    %select_n3A_98 = arith.select %broadcast_in_dim3A_97, %get3A_95, %select_n3A_76 : vector<1024x32xi1>, vector<1024x32xf32>
    %eq3A_99 = arith.constant 4 : i32
    %eq3A_100 = vector.broadcast %eq3A_99 : i32 to vector<1024x1xi32>
    %eq3A_101 = arith.cmpi eq, %rem3A_3, %eq3A_100 : vector<1024x1xi32>
    %get3A_102 = arith.constant 0 : index
    %get3A_103 = arith.constant 4 : index
    %get3A_104 = arith.constant 0 : index
    %get3A_105 = vector.load %arg0[%get3A_102, %get3A_103, %get3A_104] : memref<1024x8x32xf32, #tpu.memory_space<vmem>>, vector<1024x1x32xf32>
    %get3A_106 = vector.shape_cast %get3A_105 : vector<1024x1x32xf32> to vector<1024x32xf32>
    %broadcast_in_dim3A_107 = vector.shape_cast %eq3A_101 : vector<1024x1xi1> to vector<1024x1xi1>
    %broadcast_in_dim3A_108 = vector.broadcast %broadcast_in_dim3A_107 : vector<1024x1xi1> to vector<1024x32xi1>
    %select_n3A_109 = arith.select %broadcast_in_dim3A_108, %get3A_106, %select_n3A_87 : vector<1024x32xi1>, vector<1024x32xf32>
    %eq3A_110 = arith.constant 4 : i32
    %eq3A_111 = vector.broadcast %eq3A_110 : i32 to vector<1024x1xi32>
    %eq3A_112 = arith.cmpi eq, %rem3A_9, %eq3A_111 : vector<1024x1xi32>
    %get3A_113 = arith.constant 0 : index
    %get3A_114 = arith.constant 4 : index
    %get3A_115 = arith.constant 0 : index
    %get3A_116 = vector.load %arg1[%get3A_113, %get3A_114, %get3A_115] : memref<1024x8x32xf32, #tpu.memory_space<vmem>>, vector<1024x1x32xf32>
    %get3A_117 = vector.shape_cast %get3A_116 : vector<1024x1x32xf32> to vector<1024x32xf32>
    %broadcast_in_dim3A_118 = vector.shape_cast %eq3A_112 : vector<1024x1xi1> to vector<1024x1xi1>
    %broadcast_in_dim3A_119 = vector.broadcast %broadcast_in_dim3A_118 : vector<1024x1xi1> to vector<1024x32xi1>
    %select_n3A_120 = arith.select %broadcast_in_dim3A_119, %get3A_117, %select_n3A_98 : vector<1024x32xi1>, vector<1024x32xf32>
    %eq3A_121 = arith.constant 5 : i32
    %eq3A_122 = vector.broadcast %eq3A_121 : i32 to vector<1024x1xi32>
    %eq3A_123 = arith.cmpi eq, %rem3A_3, %eq3A_122 : vector<1024x1xi32>
    %get3A_124 = arith.constant 0 : index
    %get3A_125 = arith.constant 5 : index
    %get3A_126 = arith.constant 0 : index
    %get3A_127 = vector.load %arg0[%get3A_124, %get3A_125, %get3A_126] : memref<1024x8x32xf32, #tpu.memory_space<vmem>>, vector<1024x1x32xf32>
    %get3A_128 = vector.shape_cast %get3A_127 : vector<1024x1x32xf32> to vector<1024x32xf32>
    %broadcast_in_dim3A_129 = vector.shape_cast %eq3A_123 : vector<1024x1xi1> to vector<1024x1xi1>
    %broadcast_in_dim3A_130 = vector.broadcast %broadcast_in_dim3A_129 : vector<1024x1xi1> to vector<1024x32xi1>
    %select_n3A_131 = arith.select %broadcast_in_dim3A_130, %get3A_128, %select_n3A_109 : vector<1024x32xi1>, vector<1024x32xf32>
    %eq3A_132 = arith.constant 5 : i32
    %eq3A_133 = vector.broadcast %eq3A_132 : i32 to vector<1024x1xi32>
    %eq3A_134 = arith.cmpi eq, %rem3A_9, %eq3A_133 : vector<1024x1xi32>
    %get3A_135 = arith.constant 0 : index
    %get3A_136 = arith.constant 5 : index
    %get3A_137 = arith.constant 0 : index
    %get3A_138 = vector.load %arg1[%get3A_135, %get3A_136, %get3A_137] : memref<1024x8x32xf32, #tpu.memory_space<vmem>>, vector<1024x1x32xf32>
    %get3A_139 = vector.shape_cast %get3A_138 : vector<1024x1x32xf32> to vector<1024x32xf32>
    %broadcast_in_dim3A_140 = vector.shape_cast %eq3A_134 : vector<1024x1xi1> to vector<1024x1xi1>
    %broadcast_in_dim3A_141 = vector.broadcast %broadcast_in_dim3A_140 : vector<1024x1xi1> to vector<1024x32xi1>
    %select_n3A_142 = arith.select %broadcast_in_dim3A_141, %get3A_139, %select_n3A_120 : vector<1024x32xi1>, vector<1024x32xf32>
    %eq3A_143 = arith.constant 6 : i32
    %eq3A_144 = vector.broadcast %eq3A_143 : i32 to vector<1024x1xi32>
    %eq3A_145 = arith.cmpi eq, %rem3A_3, %eq3A_144 : vector<1024x1xi32>
    %get3A_146 = arith.constant 0 : index
    %get3A_147 = arith.constant 6 : index
    %get3A_148 = arith.constant 0 : index
    %get3A_149 = vector.load %arg0[%get3A_146, %get3A_147, %get3A_148] : memref<1024x8x32xf32, #tpu.memory_space<vmem>>, vector<1024x1x32xf32>
    %get3A_150 = vector.shape_cast %get3A_149 : vector<1024x1x32xf32> to vector<1024x32xf32>
    %broadcast_in_dim3A_151 = vector.shape_cast %eq3A_145 : vector<1024x1xi1> to vector<1024x1xi1>
    %broadcast_in_dim3A_152 = vector.broadcast %broadcast_in_dim3A_151 : vector<1024x1xi1> to vector<1024x32xi1>
    %select_n3A_153 = arith.select %broadcast_in_dim3A_152, %get3A_150, %select_n3A_131 : vector<1024x32xi1>, vector<1024x32xf32>
    %eq3A_154 = arith.constant 6 : i32
    %eq3A_155 = vector.broadcast %eq3A_154 : i32 to vector<1024x1xi32>
    %eq3A_156 = arith.cmpi eq, %rem3A_9, %eq3A_155 : vector<1024x1xi32>
    %get3A_157 = arith.constant 0 : index
    %get3A_158 = arith.constant 6 : index
    %get3A_159 = arith.constant 0 : index
    %get3A_160 = vector.load %arg1[%get3A_157, %get3A_158, %get3A_159] : memref<1024x8x32xf32, #tpu.memory_space<vmem>>, vector<1024x1x32xf32>
    %get3A_161 = vector.shape_cast %get3A_160 : vector<1024x1x32xf32> to vector<1024x32xf32>
    %broadcast_in_dim3A_162 = vector.shape_cast %eq3A_156 : vector<1024x1xi1> to vector<1024x1xi1>
    %broadcast_in_dim3A_163 = vector.broadcast %broadcast_in_dim3A_162 : vector<1024x1xi1> to vector<1024x32xi1>
    %select_n3A_164 = arith.select %broadcast_in_dim3A_163, %get3A_161, %select_n3A_142 : vector<1024x32xi1>, vector<1024x32xf32>
    %eq3A_165 = arith.constant 7 : i32
    %eq3A_166 = vector.broadcast %eq3A_165 : i32 to vector<1024x1xi32>
    %eq3A_167 = arith.cmpi eq, %rem3A_3, %eq3A_166 : vector<1024x1xi32>
    %get3A_168 = arith.constant 0 : index
    %get3A_169 = arith.constant 7 : index
    %get3A_170 = arith.constant 0 : index
    %get3A_171 = vector.load %arg0[%get3A_168, %get3A_169, %get3A_170] : memref<1024x8x32xf32, #tpu.memory_space<vmem>>, vector<1024x1x32xf32>
    %get3A_172 = vector.shape_cast %get3A_171 : vector<1024x1x32xf32> to vector<1024x32xf32>
    %broadcast_in_dim3A_173 = vector.shape_cast %eq3A_167 : vector<1024x1xi1> to vector<1024x1xi1>
    %broadcast_in_dim3A_174 = vector.broadcast %broadcast_in_dim3A_173 : vector<1024x1xi1> to vector<1024x32xi1>
    %select_n3A_175 = arith.select %broadcast_in_dim3A_174, %get3A_172, %select_n3A_153 : vector<1024x32xi1>, vector<1024x32xf32>
    %eq3A_176 = arith.constant 7 : i32
    %eq3A_177 = vector.broadcast %eq3A_176 : i32 to vector<1024x1xi32>
    %eq3A_178 = arith.cmpi eq, %rem3A_9, %eq3A_177 : vector<1024x1xi32>
    %get3A_179 = arith.constant 0 : index
    %get3A_180 = arith.constant 7 : index
    %get3A_181 = arith.constant 0 : index
    %get3A_182 = vector.load %arg1[%get3A_179, %get3A_180, %get3A_181] : memref<1024x8x32xf32, #tpu.memory_space<vmem>>, vector<1024x1x32xf32>
    %get3A_183 = vector.shape_cast %get3A_182 : vector<1024x1x32xf32> to vector<1024x32xf32>
    %broadcast_in_dim3A_184 = vector.shape_cast %eq3A_178 : vector<1024x1xi1> to vector<1024x1xi1>
    %broadcast_in_dim3A_185 = vector.broadcast %broadcast_in_dim3A_184 : vector<1024x1xi1> to vector<1024x32xi1>
    %select_n3A_186 = arith.select %broadcast_in_dim3A_185, %get3A_183, %select_n3A_164 : vector<1024x32xi1>, vector<1024x32xf32>
    %mul3A = arith.mulf %select_n3A_175, %select_n3A_186 : vector<1024x32xf32>
    %broadcast_in_dim3A_187 = arith.constant 1.000000e+00 : f32
    %broadcast_in_dim3A_188 = vector.broadcast %broadcast_in_dim3A_187 : f32 to vector<1024x32xf32>
    %dot_general3A = arith.constant dense<0.000000e+00> : vector<1024x1024xf32>
    %dot_general3A_189 = tpu.matmul %broadcast_in_dim3A_188, %mul3A, %dot_general3A {dimension_numbers = #tpu.dot_dimension_numbers<[1], [1], [0], [0], [0, 0, 1, 0], [], []>, transpose_lhs_hint = false} : vector<1024x32xf32>, vector<1024x32xf32>, vector<1024x1024xf32> -> vector<1024x1024xf32>
    %swap3A = arith.constant 0 : index
    %swap3A_190 = arith.constant 0 : index
    %swap3A_191 = vector.load %arg8[%swap3A, %swap3A_190] : memref<1024x1024xf32, #tpu.memory_space<vmem>>, vector<1024x1024xf32>
    tpu.vector_store %arg8[%swap3A, %swap3A_190], %dot_general3A_189 {strides = array<i32>} : memref<1024x1024xf32, #tpu.memory_space<vmem>>, vector<1024x1024xf32>,
    %concatenate3A = tpu.concatenate %select_n3A_175, %select_n3A_186, %mul3A in 1 : vector<1024x32xf32>, vector<1024x32xf32>, vector<1024x32xf32> -> vector<1024x96xf32>
    %get3A_192 = arith.constant 0 : index
    %get3A_193 = arith.constant 0 : index
    %get3A_194 = vector.load %arg4[%get3A_192, %get3A_193] : memref<96x64xf32, #tpu.memory_space<vmem>>, vector<96x64xf32>
    %dot_general3A_195 = arith.constant dense<0.000000e+00> : vector<1024x64xf32>
    %dot_general3A_196 = tpu.matmul %concatenate3A, %get3A_194, %dot_general3A_195 {dimension_numbers = #tpu.dot_dimension_numbers<[1], [0], [0], [1], [0, 0, 1, 1], [], []>, transpose_lhs_hint = false} : vector<1024x96xf32>, vector<96x64xf32>, vector<1024x64xf32> -> vector<1024x64xf32>
    %get3A_197 = arith.constant 0 : index
    %get3A_198 = arith.constant 0 : index
    %get3A_199 = vector.load %arg5[%get3A_197, %get3A_198] : memref<1x64xf32, #tpu.memory_space<vmem>>, vector<1x64xf32>
    %add3A = vector.broadcast %get3A_199 : vector<1x64xf32> to vector<1024x64xf32>
    %add3A_200 = arith.addf %dot_general3A_196, %add3A : vector<1024x64xf32>
    %max3A = arith.constant 0.000000e+00 : f32
    %max3A_201 = vector.broadcast %max3A : f32 to vector<1024x64xf32>
    %max3A_202 = arith.maximumf %add3A_200, %max3A_201 : vector<1024x64xf32>
    %get3A_203 = arith.constant 0 : index
    %get3A_204 = arith.constant 0 : index
    %get3A_205 = vector.load %arg6[%get3A_203, %get3A_204] : memref<64x1xf32, #tpu.memory_space<vmem>>, vector<64x1xf32>
    %dot_general3A_206 = arith.constant dense<0.000000e+00> : vector<1024x1xf32>
    %dot_general3A_207 = tpu.matmul %max3A_202, %get3A_205, %dot_general3A_206 {dimension_numbers = #tpu.dot_dimension_numbers<[1], [0], [0], [1], [0, 0, 1, 1], [], []>, transpose_lhs_hint = false} : vector<1024x64xf32>, vector<64x1xf32>, vector<1024x1xf32> -> vector<1024x1xf32>
    %get3A_208 = arith.constant 0 : index
    %get3A_209 = arith.constant 0 : index
    %get3A_210 = vector.load %arg7[%get3A_208, %get3A_209] : memref<1x1xf32, #tpu.memory_space<vmem>>, vector<1x1xf32>
    %add3A_211 = vector.broadcast %get3A_210 : vector<1x1xf32> to vector<1024x1xf32>
    %add3A_212 = arith.addf %dot_general3A_207, %add3A_211 : vector<1024x1xf32>
    %max3A_213 = arith.constant 0.000000e+00 : f32
    %max3A_214 = vector.broadcast %max3A_213 : f32 to vector<1024x1xf32>
    %max3A_215 = arith.maximumf %add3A_212, %max3A_214 : vector<1024x1xf32>
    %swap3A_216 = arith.constant 0 : index
    %swap3A_217 = arith.constant 0 : index
    %swap3A_218 = vector.load %arg9[%swap3A_216, %swap3A_217] : memref<1024x1xf32, #tpu.memory_space<vmem>>, vector<1024x1xf32>
    tpu.vector_store %arg9[%swap3A_216, %swap3A_217], %max3A_215 {strides = array<i32>} : memref<1024x1xf32, #tpu.memory_space<vmem>>, vector<1024x1xf32>,
    return
  }
}

</mosaic_0001>

<sc_bundles>
// kernel: sparse-core-data-format-call.1.cloned.1.call-start
scs
called_computation.1_lowered:
.L_overlay_start_0:
0x0: {  	s2 =	sld [smem:$0x3FD9]  }
0x1: {  	s3 =	sld [smem:$0x3FFE];
	_ =	sdelay $0x1  }
0x2: {  	s1 =	srdreg.scid  }
0x3: {  	s0 =	sand.u32 $0x1, s1  }
0x4: {  	s18 =	sshll.u32 s0, $0xA;
	s2 =	sadd.s32 s3, s2  }
0x5: {  	s2 =	sadd.s32 s2, s18  }
0x6: {  	[smem:$0x3FC0] =	sst s2  }
0x7: {  	_ = 	snop  }
0x8: {  	(tm) =	ssettm $0x1  }
0x9: {  	s19 =	sld [smem:$0x3FFB];
	_ =	sdelay $0x3  }
0xa: {  	_ =	strace s19  }
0xb: {  	s2 =	sld [smem:$0x3FFC];
	_ =	sdelay $0x3  }
0xc: {  	_ =	strace s2  }
0xd: {  	s2 =	sld [smem:$0x3FFD];
	_ =	sdelay $0x3  }
0xe: {  	_ =	strace s2  }
0xf: {  	_ =	strace $0x8FFFFFFF  }
0x10: {  	s20 =	sld [smem:$0x3FDB];
	_ =	sdelay $0x1  }
0x11: {  	s21 =	simm.s32 $_scs_section_size  }
0x12: {  	s4 =	simm.s32 $_size__tile_overlayer_lowered;
	s5 =	simm.s32 $_tile_overlayer_lowered  }
0x13: {  	s6 =	simm.s32 $0x1BFF;
	s22 =	sshll.u32 s5, $0x1;
	s3 =	sadd.s32 s21, s20  }
0x14: {  	s23 =	simm.s32 $0x0;
	s4 =	sshll.u32 s4, $0x1;
	s5 =	sadd.s32 s22, s3  }
0x15: {  	[timem:s23], [sflag:s6] =	dma.local [hbm:s5], s4  }
0x16: {  	_ =	swait.ge [sflag:s6], s4  }
0x17: {  	s4 =	ssub.s32 $0x0, s4;
	[sflag:s6] =	ssyncset.done $0x0  }
0x18: {  	[sflag:s6] =	ssyncadd.s32 s4;
	_ =	sdelay $0x1  }
0x19: {  	s24 =	simm.s32 $0x1B8B  }
0x1a: {  	_ =	swait.ge [sflag:s24], $0x1  }
0x1b: {  	[sflag:s24] =	ssyncset.done $0x0  }
0x1c: {  	[sflag:s24] =	ssyncadd.s32 $0xFFFFFFFF  }
0x1d: {  	s4 =	sld [smem:$0x0]  }
0x1e: {  	s5 =	sand.u32 $0xFFFFFFFE, s1  }
0x1f: {  	p0 =	sne.s32 s1, s5  }
0x20: {  	s5 =	sshll.u32 @p0 s5, $0xE  }
0x21: {  	s5 =	sadd.s32 @p0 $0x11B8D, s5;
	s6 =	sshll.u32 @p0 s4, $0x11  }
0x22: {  	s5 =	sor.u32 @p0 s6, s5  }
0x23: {  	[sflag:s5] =	ssyncadd.remote.s32 @p0 $0x1;
	_ =	sdelay $0x1  }
0x24: {  	s5 =	simm.s32 @p0 $0x1B8D  }
0x25: {  	_ =	swait.eq @p0 [sflag:s5], $0x1  }
0x26: {  	[sflag:s5] =	ssyncadd.s32 @p0 $0xFFFFFFFF  }
0x27: {  	s6 =	sshll.u32 @!p0 s1, $0xE  }
0x28: {  	s6 =	sor.u32 @!p0 $0x4000, s6;
	s5 =	simm.s32 @!p0 $0x1B8D  }
0x29: {  	s4 =	sshll.u32 @!p0 s4, $0x11;
	s6 =	sadd.s32 @!p0 $0x11B8D, s6;
	_ =	swait.eq @!p0 [sflag:s5], $0x1  }
0x2a: {  	s4 =	sor.u32 @!p0 s4, s6;
	[sflag:s5] =	ssyncadd.s32 @!p0 $0xFFFFFFFF  }
0x2b: {  	s26 =	simm.s32 $0x1B8E;
	s25 =	sld [smem:$0x3FFE];
	[sflag:s4] =	ssyncadd.remote.s32 @!p0 $0x1  }
0x2c: {  	s27 =	simm.s32 $execute0_lowered;
	[smem:$0x3FD2] =	sst s26  }
0x2d: {  	s5 =	sshll.u32 s27, $0x1;
	_ =	strace $0x80000049;
	[dreg:$0x1] =	wrdreg $0xFFFFFFFF  }
0x2e: {  	s28 =	simm.s32 $_size_execute0_lowered;
	s3 =	sadd.s32 s3, s5;
	[dreg:$0x0] =	wrdreg $0x0  }
0x2f: {  	s5 =	sshll.u32 s28, $0x1;
	[dreg:$0x2] =	wrdreg s3  }
0x30: {  	[dreg:$0x3] =	wrdreg s5  }
0x31: {  	[dreg:$0x4] =	wrdreg $0xC0  }
0x32: {  	_ =	task [dreg:s23], $0x5FFFF  }
0x33: {  	[dreg:$0x1] =	wrdreg $0xFFFFFFFF  }
0x34: {  	[dreg:$0x0] =	wrdreg $0x60  }
0x35: {  	[dreg:$0x2] =	wrdreg s25  }
0x36: {  	[dreg:$0x3] =	wrdreg $0xA  }
0x37: {  	_ =	task.clear_ibuf [dreg:s23], $0x4FFFF;
	_ =	strace $0x90000049  }
0x38: {  	s29 =	simm.s32 $0xA;
	_ =	strace $0x8000004B  }
0x39: {  	_ =	swait.ge [sflag:s29], $0x1  }
0x3a: {  	[sflag:s29] =	ssyncadd.s32 $0xFFFFFFFF  }
0x3b: {  	_ =	strace $0x9000004B  }
0x3c: {  	_ =	sfence  }
0x3d: {  	s30 =	sld [smem:$0x0];
	_ =	sdelay $0x2  }
0x3e: {  	s31 =	sshll.u32 s1, $0xD;
	s1 =	sshrl.u32 s1, $0x2  }
0x3f: {  	s4 =	sand.u32 $0x4000, s31;
	s1 =	sadd.s32 s1, s30  }
0x40: {  	s0 =	sor.u32 s4, s0;
	s1 =	sshll.u32 s1, $0x11  }
0x41: {  	s0 =	sor.u32 s1, s0  }
0x42: {  	s0 =	sadd.s32 $0x8F2B, s0  }
0x43: {  	[sflag:s0] =	ssyncadd.remote.s32 $0x1  }
0x44: {  	_ =	sfence.sel $0xFFFF  }
0x45: {  	[dreg:$0x0] =	wrdreg $0xFFFFFFFF;
	(pc) =	sbr.abs _section_cstart, $3  }
0x46: {  	[dreg:$0x1] =	wrdreg $0xFFFFFFFF  }
0x47: {  	_ =	task.clear_ibuf [dreg:s23], $0x2FFFF;
	_ =	strace $0x9FFFFFFF  }
0x48: {  	(tm) =	ssettm $0x7FFFFFFF  }
0x49: {  	_ =	shalt  }
tec
execute0_lowered:
.L_overlay_start_1:
0x0: {  	(tag) =	ssettag $0x1  }
0x1: {  	s0 =	srdreg.scid  }
0x2: {  	s1 =	rddreg [dreg:$0x0];
	_ =	strace $0x8000004A;
	s3 =	stileid.u32  }
0x3: {  	s4 =	simm.s32 $0x1;
	s13 =	simm.s32 $0x2;
	s20 =	simm.s32 $0x0  }
0x4: {  	p0 =	por $0x0, $0x0;
	s16 =	simm.s32 $0xF4400;
	s19 =	simm.s32 $0x0  }
0x5: {  	s18 =	simm.s32 $0x0;
	s0 =	sshll.u32 s0, $0x4;
	s3 =	sshll.u32 s3, $0x7  }
0x6: {  	s5 =	sadd.s32 $0x2257E00, s1;
	[sflag:s4] =	ssyncpa.u1 $0x0;
	s11 =	sadd.s32 $0x2440600, s1  }
0x7: {  	s12 =	sadd.s32 $0x24BA800, s1;
	s14 =	sadd.s32 $0x25AEC00, s1;
	s2 =	sand.u32 $0x10, s0  }
0x8: {  	[dreg:$0x2] =	wrdreg s5;
	s6 =	ssub.s32 $0x1E800, s3;
	s7 =	ssub.s32 $0x20, s2  }
0x9: {  	[sflag:s13] =	ssyncpa.u1 $0x0;
	s6 =	sshrl.u32 s6, $0xB;
	s30 =	sshrl.u32 s7, $0x4  }
.Ltmp0:
0xa: {  	s8 =	sshrl.u32 s7, $0x5;
	s9 =	sand.u32 $0x1, s30;
	(pc) =	sbr.rel .LBB1_1-.Ltmp0, $4  }
0xb: {  	s0 =	sshrl.u32 s2, $0x3;
	s10 =	sadd.s32 $0x1, s6;
	s31 =	sadd.s32 s8, s9  }
0xc: {  	s13 =	sadd.s32 $0x2534A00, s1;
	s0 =	sadd.s32 s0, s1;
	s10 =	smul.u32 s10, s31  }
0xd: {  	s17 =	smov.u32 s3;
	s7 =	sadd.s32 $0x22D2000, s1;
	s6 =	sadd.s32 $0x1315A00, s0  }
0xe: {  	s8 =	sadd.s32 $0x234C200, s1;
	s9 =	sadd.s32 $0x23C6400, s1;
	s15 =	sadd.s32 $0x1, s10  }
.LBB1_4:
0xf: {  	v5 =	vld [tilespmem:s31+$0xFFFFFFD0];
	[tilespmem:s30+$0x2040 ss:$0x81] =	vst.msk $0xffff, v0  }
0x10: {  	s1 =	sshrl.u32 s20, $0x3;
	v58 =	vld [tilespmem:s31+$0xFFFFFFE0];
	[tilespmem:s30+$0x2850 ss:$0x81] =	vst.msk $0xffff, v2  }
0x11: {  	s5 =	sshll.u32 s19, $0x3;
	s0 =	sshra.s32 s0, $0x2;
	v59 =	vld [tilespmem:s31+$0xFFFFFFF0];
	[tilespmem:s30+$0x3060 ss:$0x81] =	vst.msk $0xffff, v4;
	s1 =	smul.u32 $0xF4400, s1  }
0x12: {  	v60 =	vld [tilespmem:s31+$0x0];
	[tilespmem:s30+$0x0 ss:$0x81] =	vst.msk $0xffff, v1;
	s5 =	sand.u32 $0xFFFFFC00, s5;
	s0 =	sadd.s32 s0, s29  }
0x13: {  	v61 =	vld [tilespmem:s31+$0x10];
	[tilespmem:s0+$0x3870 ss:$0x81] =	vst.msk $0xffff, v3;
	s1 =	sadd.s32 s5, s1  }
0x14: {  	v62 =	vld [tilespmem:s31+$0x20];
	s5 =	sshrl.u32 s1, $0x7;
	[tilespmem:s0+$0x810 ss:$0x81] =	vst.msk $0xffff, v5  }
0x15: {  	s5 =	smulhi.u32 $0x218A169, s5;
	[tilespmem:s0+$0x1020 ss:$0x81] =	vst.msk $0xffff, v58  }
0x16: {  	[tilespmem:s0+$0x1830 ss:$0x81] =	vst.msk $0xffff, v59  }
0x17: {  	[tilespmem:s0+$0x2040 ss:$0x81] =	vst.msk $0xffff, v60;
	s5 =	sshrl.u32 s5, $0x3  }
0x18: {  	v63 =	vld [tilespmem:s31+$0xFFFFFFC0];
	s20 =	sand.u32 $0x7F, s19;
	[tilespmem:s0+$0x2850 ss:$0x81] =	vst.msk $0xffff, v61;
	s29 =	smul.u32 $0x1E880, s5  }
0x19: {  	s1 =	sor.u32 s20, s1;
	[tilespmem:s0+$0x3060 ss:$0x81] =	vst.msk $0xffff, v62  }
0x1a: {  	s30 =	rddreg [dreg:$0x2];
	s5 =	sand.u32 $0x1F, s5;
	s1 =	ssub.s32 s1, s29  }
0x1b: {  	s5 =	smul.u32 $0x3D10, s5;
	s19 =	sshrl.u32 s1, $0x3;
	s1 =	sand.u32 $0x7, s1  }
0x1c: {  	s20 =	sadd.s32 s30, s19;
	s1 =	sshll.u32 s1, $0x12  }
0x1d: {  	[tilespmem:s0+$0x0 ss:$0x81] =	vst.msk $0xffff, v63;
	s31 =	sadd.s32 s5, s20;
	s1 =	sor.u32 $0x400, s1;
	s20 =	sadd.s32 s5, s7  }
0x1e: {  	[hbm4b:s31+s1] =	stream.strided.scatter [tilespmem:s28], [sflag:$0x2], $0x800, s16, s1, $0x20;
	[tilespmem:$0x10100] =	vst v63  }
0x1f: {  	s0 =	sadd.s32 s19, s20  }
0x20: {  	[hbm4b:s0+s1] =	stream.strided.scatter [tilespmem:s26], [sflag:$0x2], $0x800, s16, s1, $0x20;
	[tilespmem:$0x10100] =	vst v63  }
0x21: {  	s26 =	sadd.s32 s5, s8  }
0x22: {  	s0 =	sadd.s32 s19, s26  }
0x23: {  	[hbm4b:s0+s1] =	stream.strided.scatter [tilespmem:s27], [sflag:$0x2], $0x800, s16, s1, $0x20;
	[tilespmem:$0x10100] =	vst v63  }
0x24: {  	s27 =	sadd.s32 s5, s9  }
0x25: {  	s28 =	sadd.s32 s5, s11;
	s0 =	sadd.s32 s19, s27  }
0x26: {  	[hbm4b:s0+s1] =	stream.strided.scatter [tilespmem:s25], [sflag:$0x2], $0x800, s16, s1, $0x20;
	[tilespmem:$0x10100] =	vst v63  }
0x27: {  	s29 =	sadd.s32 s5, s12;
	s0 =	sadd.s32 s19, s28  }
0x28: {  	[hbm4b:s0+s1] =	stream.strided.scatter [tilespmem:s23], [sflag:$0x2], $0x800, s16, s1, $0x20;
	[tilespmem:$0x10100] =	vst v63  }
0x29: {  	s30 =	sadd.s32 s5, s13;
	s0 =	sadd.s32 s19, s29  }
0x2a: {  	[hbm4b:s0+s1] =	stream.strided.scatter [tilespmem:s24], [sflag:$0x2], $0x800, s16, s1, $0x20;
	[tilespmem:$0x10100] =	vst v63  }
0x2b: {  	s31 =	sadd.s32 s5, s14;
	s0 =	sadd.s32 s19, s30  }
0x2c: {  	[hbm4b:s0+s1] =	stream.strided.scatter [tilespmem:s21], [sflag:$0x2], $0x800, s16, s1, $0x20;
	[tilespmem:$0x10100] =	vst v63  }
0x2d: {  	s0 =	sadd.s32 s19, s31  }
0x2e: {  	[hbm4b:s0+s1] =	stream.strided.scatter [tilespmem:s22], [sflag:$0x2], $0x800, s16, s1, $0x20;
	[tilespmem:$0x10100] =	vst v63  }
.LBB1_5:
0x2f: {  	s1 =	sadd.s32 $0x800, s17  }
0x30: {  	p2 =	sgt.s32 s1, $0x1E847  }
0x31: {  	s1 =	smov.u32 @p2 s3;
	p2 =	sne.s32 s18, s15  }
.Ltmp1:
0x32: {  	p1 =	slt.u32 s18, $0x2;
	(pc) =	sbr.rel @!p2 .LBB1_6-.Ltmp1, $4  }
0x33: {  	s0 =	simm.s32 @!p1 $0x2  }
0x34: {  	s5 =	sadd.s32 $0x1, s18;
	s19 =	smov.u32 s17;
	_ =	swait.ge @!p1 [sflag:s0], $0x4000  }
0x35: {  	p0 =	por !p0, !p0;
	s20 =	smov.u32 s2;
	[sflag:s0] =	ssyncset.done @!p1 $0x0  }
0x36: {  	s18 =	smov.u32 s5;
	s17 =	smov.u32 s1;
	[sflag:s0] =	ssyncadd.s32 @!p1 $0xFFFFC000  }
.LBB1_1:
0x37: {  	p1 =	sge.u32 s18, s10  }
0x38: {  	p2 =	sgt.s32 @!p1 s17, $0x1E7C8  }
0x39: {  	s0 =	smov.u32 s17;
	s1 =	sshra.s32 @!p1 s17, $0x1F;
	p2 =	por !p2, p1  }
0x3a: {  	s1 =	sand.u32 @!p1 s1, s17;
	s0 =	simm.s32 @p2 $0x1E7C8  }
0x3b: {  	s0 =	ssub.s32 @!p1 s0, s1  }
0x3c: {  	s31 =	sadd.s32 $0xFFFFFFFF, s18;
	s21 =	sxor.u32 @!p1 $0xFFFFFFFF, s18;
	s0 =	sadd.s32 @!p1 $0xFFFE1838, s0  }
0x3d: {  	s22 =	simm.s32 @!p1 $0x10;
	s23 =	simm.s32 @!p1 $0x80;
	s1 =	sshll.u32 @!p1 s0, $0x7  }
0x3e: {  	p2 =	sgt.s32 @!p1 s0, $0x7F;
	s0 =	ssub.s32 @!p1 $0x4000, s1;
	s1 =	sshll.u32 @!p1 s21, $0xE  }
0x3f: {  	p2 =	por !p2, p1;
	s21 =	sshll.u32 @!p1 s17, $0x7;
	s0 =	sand.u32 @!p1 $0x3FFFFF80, s0  }
0x40: {  	s1 =	sand.u32 @!p1 $0x4000, s1;
	s21 =	sadd.s32 @!p1 s21, s6;
	s0 =	simm.s32 @!p2 $0x0  }
0x41: {  	[tilespmem:s1], [sflag:$0x1] =	stream.strided.gather @!p1 [hbm4b:s21+s22], s0, s23, s22, $0x38;
	[tilespmem:$0x10100] =	vst v63  }
0x42: {  	p1 =	sge.u32 s31, s10  }
.Ltmp2:
0x43: {  	_ = 	snop;
	(pc) =	sbr.rel @p1 .LBB1_5-.Ltmp2, $1  }
0x44: {  	_ =	sdelay $0x3  }
0x45: {  	p1 =	sgt.s32 s19, $0x1E7C8;
	s0 =	smov.u32 s19;
	s1 =	sshra.s32 s19, $0x1F  }
0x46: {  	s0 =	simm.s32 @!p1 $0x1E7C8;
	s1 =	sand.u32 s1, s19  }
0x47: {  	s0 =	ssub.s32 s0, s1  }
0x48: {  	s0 =	sadd.s32 $0xFFFE1838, s0  }
0x49: {  	s24 =	sshll.u32 s0, $0x7  }
0x4a: {  	s1 =	ssub.s32 $0x4000, s24  }
0x4b: {  	p1 =	sgt.s32 s0, $0x7F;
	s0 =	sand.u32 $0x3FFFFF80, s1  }
0x4c: {  	s1 =	simm.s32 $0x1;
	s0 =	simm.s32 @p1 $0x0  }
0x4d: {  	s1 =	simm.s32 @!p0 $0x0;
	_ =	swait.ge [sflag:s4], s0  }
0x4e: {  	s21 =	sshll.u32 s1, $0xE;
	s0 =	ssub.s32 $0x0, s0;
	[sflag:s4] =	ssyncset.done $0x0  }
0x4f: {  	s22 =	sor.u32 $0x40, s21;
	[sflag:s4] =	ssyncadd.s32 s0  }
0x50: {  	s25 =	smul.u32 $0x10200, s1;
	v1 =	vld [tilespmem:s22+$0x30]  }
0x51: {  	v3 =	vld [tilespmem:s22+$0xFFFFFFD0]  }
0x52: {  	s26 =	sand.u32 $0x1, s18;
	s0 =	sshrl.u32 s25, $0x2;
	v5 =	vld [tilespmem:s22+$0xFFFFFFE0]  }
0x53: {  	s1 =	smul.u32 $0x10200, s26;
	s29 =	sor.u32 $0x8000, s0;
	v6 =	vld [tilespmem:s22+$0xFFFFFFF0]  }
0x54: {  	v0 =	vld [tilespmem:s22+$0x0];
	s30 =	sadd.s32 $0x0, s29  }
0x55: {  	s5 =	sshrl.u32 s1, $0x2;
	s31 =	sadd.s32 $0x80, s22;
	s1 =	simm.s32 $0x8;
	v2 =	vld [tilespmem:s22+$0x10];
	[tilespmem:s30+$0x3870 ss:$0x81] =	vst.msk $0xffff, v1  }
0x56: {  	s28 =	sor.u32 $0x8000, s5;
	s26 =	sadd.s32 $0x8810, s5;
	s27 =	sadd.s32 $0x9020, s5;
	v4 =	vld [tilespmem:s22+$0x20];
	[tilespmem:s30+$0x810 ss:$0x81] =	vst.msk $0xffff, v3  }
0x57: {  	s25 =	sadd.s32 $0x9830, s5;
	s23 =	sadd.s32 $0xA040, s5;
	s24 =	sadd.s32 $0xA850, s5;
	v1 =	vld [tilespmem:s22+$0xFFFFFFC0];
	[tilespmem:s30+$0x1020 ss:$0x81] =	vst.msk $0xffff, v5  }
0x58: {  	s21 =	sadd.s32 $0xB060, s5;
	s0 =	simm.s32 $0x4;
	s22 =	sadd.s32 $0xB870, s5;
	v3 =	vld [tilespmem:s31+$0x30];
	[tilespmem:s30+$0x1830 ss:$0x81] =	vst.msk $0xffff, v6  }
.LBB1_3:
0x59: {  	p1 =	sne.s32 s1, $0x1FC;
	v5 =	vld [tilespmem:s31+$0xFFFFFFD0];
	[tilespmem:s30+$0x2040 ss:$0x81] =	vst.msk $0xffff, v0  }
0x5a: {  	v6 =	vld [tilespmem:s31+$0xFFFFFFE0];
	[tilespmem:s30+$0x2850 ss:$0x81] =	vst.msk $0xffff, v2  }
0x5b: {  	s5 =	sshra.s32 s0, $0x2;
	s0 =	smov.u32 s1;
	v7 =	vld [tilespmem:s31+$0xFFFFFFF0];
	[tilespmem:s30+$0x3060 ss:$0x81] =	vst.msk $0xffff, v4  }
.Ltmp3:
0x5c: {  	v0 =	vld [tilespmem:s31+$0x0];
	[tilespmem:s30+$0x0 ss:$0x81] =	vst.msk $0xffff, v1;
	s30 =	sadd.s32 s5, s29;
	(pc) =	sbr.rel @p1 .LBB1_3-.Ltmp3, $4  }
0x5d: {  	v2 =	vld [tilespmem:s31+$0x10];
	[tilespmem:s30+$0x3870 ss:$0x81] =	vst.msk $0xffff, v3  }
0x5e: {  	[tilespmem:s30+$0x810 ss:$0x81] =	vst.msk $0xffff, v5;
	v4 =	vld [tilespmem:s31+$0x20]  }
0x5f: {  	v1 =	vld [tilespmem:s31+$0xFFFFFFC0];
	[tilespmem:s30+$0x1020 ss:$0x81] =	vst.msk $0xffff, v6;
	s31 =	sadd.s32 $0x80, s31  }
0x60: {  	s1 =	sadd.s32 $0x4, s1;
	v3 =	vld [tilespmem:s31+$0x30];
	[tilespmem:s30+$0x1830 ss:$0x81] =	vst.msk $0xffff, v7  }
.Ltmp4:
0x61: {  	_ = 	snop;
	(pc) =	sbr.rel .LBB1_4-.Ltmp4, $1  }
0x62: {  	_ =	sdelay $0x3  }
.LBB1_6:
0x63: {  	_ =	sfence.sel $0x180000  }
0x64: {  	s0 =	simm.s32 $0x1;
	[bflag:$0x0] =	sbarrier.arrive $0xFFFF  }
0x65: {  	s30 =	simm.s32 $0x2;
	[sflag:s0] =	ssyncpa.u1 $0x1  }
0x66: {  	[sflag:s30] =	ssyncpa.u1 $0x1  }
0x67: {  	_ =	strace $0x9000004A  }
0x68: {  	s31 =	stileid.u32;
	[bflag:$0x2] =	sbarrier.arrive $0xFFFF  }
0x69: {  	p0 =	sne.s32 s31, $0x0;
	s0 =	rddreg [dreg:$0x1]  }
0x6a: {  	s0 =	sadd.s32 @!p0 $0x100000, s0  }
0x6b: {  	[sflag:s0] =	ssyncadd.tile.s32 @!p0 $0x1;
	_ =	shalt  }
.Lfunc_end1:
_tile_overlayer_lowered:
.L_overlay_start_2:
0x6c: {  	(tag) =	ssettag $0x2  }
0x6d: {  	s0 =	rddreg [dreg:$0x0];
	s2 =	stileid.u32  }
0x6e: {  	s1 =	rddreg [dreg:$0x1];
	p0 =	sne.s32 s2, $0x0  }
0x6f: {  	s3 =	rddreg [dreg:$0x2];
	[bflag:$0x3] =	sbarrier.arrive $0xFFFF;
	s2 =	simm.s32 @!p0 $0x1C01  }
0x70: {  	[timem:s3], [sflag:s2] =	dma.local @!p0 [hbm:s0], s1  }
0x71: {  	s0 =	simm.s32 @!p0 $0x1  }
0x72: {  	_ =	swait.ge @!p0 [sflag:s0], s1  }
0x73: {  	s1 =	ssub.s32 @!p0 $0x0, s1;
	[sflag:s0] =	ssyncset.done @!p0 $0x0  }
0x74: {  	[sflag:s0] =	ssyncadd.s32 @!p0 s1  }
0x75: {  	[bflag:$0x3] =	sbarrier.arrive $0xFFFF  }
0x76: {  	_ =	shalt  }

// kernel: sparse-core-data-format-call.cloned.1.call-start
scs
called_computation_lowered:
.L_overlay_start_0:
0x0: {  	s1 =	sld [smem:$0x3FD9]  }
0x1: {  	s2 =	sld [smem:$0x3FFE];
	_ =	sdelay $0x1  }
0x2: {  	s3 =	srdreg.scid  }
0x3: {  	s0 =	sand.u32 $0x1, s3  }
0x4: {  	s17 =	sshll.u32 s0, $0xA;
	s1 =	sadd.s32 s2, s1  }
0x5: {  	s1 =	sadd.s32 s1, s17  }
0x6: {  	[smem:$0x3FC0] =	sst s1  }
0x7: {  	_ = 	snop  }
0x8: {  	(tm) =	ssettm $0x1  }
0x9: {  	s18 =	sld [smem:$0x3FFB];
	_ =	sdelay $0x3  }
0xa: {  	_ =	strace s18  }
0xb: {  	s1 =	sld [smem:$0x3FFC];
	_ =	sdelay $0x3  }
0xc: {  	_ =	strace s1  }
0xd: {  	s1 =	sld [smem:$0x3FFD];
	_ =	sdelay $0x3  }
0xe: {  	_ =	strace s1  }
0xf: {  	_ =	strace $0x8FFFFFFF  }
0x10: {  	s19 =	sld [smem:$0x3FDB];
	_ =	sdelay $0x1  }
0x11: {  	s20 =	simm.s32 $_scs_section_size  }
0x12: {  	s4 =	simm.s32 $_size__tile_overlayer_lowered;
	s5 =	simm.s32 $_tile_overlayer_lowered  }
0x13: {  	s23 =	simm.s32 $0x1BFF;
	s22 =	sshll.u32 s5, $0x1;
	s1 =	sadd.s32 s20, s19  }
0x14: {  	s6 =	simm.s32 $0x0;
	s21 =	sshll.u32 s4, $0x1;
	s4 =	sadd.s32 s22, s1  }
0x15: {  	[timem:s6], [sflag:s23] =	dma.local [hbm:s4], s21  }
0x16: {  	_ =	swait.ge [sflag:s23], s21  }
0x17: {  	s2 =	ssub.s32 $0x0, s21;
	[sflag:s23] =	ssyncset.done $0x0  }
0x18: {  	[sflag:s23] =	ssyncadd.s32 s2;
	_ =	sdelay $0x1  }
0x19: {  	s24 =	simm.s32 $0x1B8B  }
0x1a: {  	_ =	swait.ge [sflag:s24], $0x1  }
0x1b: {  	[sflag:s24] =	ssyncset.done $0x0  }
0x1c: {  	s26 =	simm.s32 $0x1B8E;
	s25 =	sld [smem:$0x3FFE];
	[sflag:s24] =	ssyncadd.s32 $0xFFFFFFFF  }
0x1d: {  	s27 =	simm.s32 $execute0_lowered;
	[smem:$0x3FD2] =	sst s26  }
0x1e: {  	s4 =	sshll.u32 s27, $0x1;
	_ =	strace $0x80000046;
	[dreg:$0x1] =	wrdreg $0xFFFFFFFF  }
0x1f: {  	s28 =	simm.s32 $_size_execute0_lowered;
	s1 =	sadd.s32 s1, s4;
	[dreg:$0x0] =	wrdreg $0x0  }
0x20: {  	s4 =	sshll.u32 s28, $0x1;
	[dreg:$0x2] =	wrdreg s1  }
0x21: {  	[dreg:$0x3] =	wrdreg s4  }
0x22: {  	[dreg:$0x4] =	wrdreg $0xC0  }
0x23: {  	_ =	task [dreg:s6], $0x5FFFF  }
0x24: {  	[dreg:$0x1] =	wrdreg $0xFFFFFFFF  }
0x25: {  	[dreg:$0x0] =	wrdreg $0x60  }
0x26: {  	[dreg:$0x2] =	wrdreg s25  }
0x27: {  	[dreg:$0x3] =	wrdreg $0x9  }
0x28: {  	_ =	task.clear_ibuf [dreg:s6], $0x4FFFF;
	_ =	strace $0x90000046  }
0x29: {  	s29 =	simm.s32 $0x9;
	_ =	strace $0x80000048  }
0x2a: {  	_ =	swait.ge [sflag:s29], $0x1  }
0x2b: {  	[sflag:s29] =	ssyncadd.s32 $0xFFFFFFFF  }
0x2c: {  	_ =	strace $0x90000048  }
0x2d: {  	_ =	sfence  }
0x2e: {  	s30 =	sld [smem:$0x0];
	_ =	sdelay $0x2  }
0x2f: {  	s31 =	sshll.u32 s3, $0xD;
	s3 =	sshrl.u32 s3, $0x2  }
0x30: {  	s2 =	sand.u32 $0x4000, s31;
	s1 =	sadd.s32 s3, s30  }
0x31: {  	s0 =	sor.u32 s2, s0;
	s1 =	sshll.u32 s1, $0x11  }
0x32: {  	s0 =	sor.u32 s1, s0  }
0x33: {  	s0 =	sadd.s32 $0x8F2B, s0  }
0x34: {  	[sflag:s0] =	ssyncadd.remote.s32 $0x1  }
0x35: {  	_ =	sfence.sel $0xFFFF  }
0x36: {  	[dreg:$0x0] =	wrdreg $0xFFFFFFFF;
	(pc) =	sbr.abs _section_cstart, $3  }
0x37: {  	[dreg:$0x1] =	wrdreg $0xFFFFFFFF  }
0x38: {  	_ =	task.clear_ibuf [dreg:s6], $0x2FFFF;
	_ =	strace $0x9FFFFFFF  }
0x39: {  	(tm) =	ssettm $0x7FFFFFFF  }
tec
execute0_lowered:
.L_overlay_start_1:
0x0: {  	(tag) =	ssettag $0x1  }
0x1: {  	s0 =	srdreg.scid  }
0x2: {  	s1 =	rddreg [dreg:$0x0];
	_ =	strace $0x80000047;
	s31 =	stileid.u32  }
0x3: {  	s4 =	simm.s32 $0x1;
	s13 =	simm.s32 $0x2;
	s20 =	simm.s32 $0x0  }
0x4: {  	p0 =	por $0x0, $0x0;
	s16 =	simm.s32 $0xF4400;
	s19 =	simm.s32 $0x0  }
0x5: {  	s18 =	simm.s32 $0x0;
	s0 =	sshll.u32 s0, $0x4;
	s3 =	sadd.s32 $0xF44A00, s1  }
0x6: {  	s5 =	sshll.u32 s31, $0x7;
	[sflag:s4] =	ssyncpa.u1 $0x0;
	s9 =	sadd.s32 $0x10B3000, s1  }
0x7: {  	s12 =	sadd.s32 $0x11A7400, s1;
	s14 =	sadd.s32 $0x129B800, s1;
	s2 =	sand.u32 $0x10, s0  }
0x8: {  	[dreg:$0x2] =	wrdreg s3;
	s7 =	ssub.s32 $0x1E800, s5;
	s6 =	ssub.s32 $0x20, s2  }
0x9: {  	[sflag:s13] =	ssyncpa.u1 $0x0;
	s7 =	sshrl.u32 s7, $0xB;
	s8 =	sshrl.u32 s6, $0x4  }
.Ltmp0:
0xa: {  	s6 =	sshrl.u32 s6, $0x5;
	s8 =	sand.u32 $0x1, s8;
	(pc) =	sbr.rel .LBB1_1-.Ltmp0, $4  }
0xb: {  	s0 =	sshrl.u32 s2, $0x3;
	s10 =	sadd.s32 $0x1, s7;
	s11 =	sadd.s32 s6, s8  }
0xc: {  	s13 =	sadd.s32 $0x1221600, s1;
	s0 =	sadd.s32 s0, s1;
	s10 =	smul.u32 s10, s11  }
0xd: {  	s17 =	smov.u32 s5;
	s7 =	sadd.s32 $0x2600, s0;
	s6 =	sadd.s32 $0xFBEC00, s1  }
0xe: {  	s8 =	sadd.s32 $0x1038E00, s1;
	s11 =	sadd.s32 $0x112D200, s1;
	s15 =	sadd.s32 $0x1, s10  }
.LBB1_4:
0xf: {  	v5 =	vld [tilespmem:s31+$0xFFFFFFD0];
	[tilespmem:s30+$0x2040 ss:$0x81] =	vst.msk $0xffff, v0  }
0x10: {  	s1 =	sshrl.u32 s20, $0x3;
	v58 =	vld [tilespmem:s31+$0xFFFFFFE0];
	[tilespmem:s30+$0x2850 ss:$0x81] =	vst.msk $0xffff, v2  }
0x11: {  	s3 =	sshll.u32 s19, $0x3;
	s0 =	sshra.s32 s0, $0x2;
	v59 =	vld [tilespmem:s31+$0xFFFFFFF0];
	[tilespmem:s30+$0x3060 ss:$0x81] =	vst.msk $0xffff, v4;
	s1 =	smul.u32 $0xF4400, s1  }
0x12: {  	v60 =	vld [tilespmem:s31+$0x0];
	[tilespmem:s30+$0x0 ss:$0x81] =	vst.msk $0xffff, v1;
	s3 =	sand.u32 $0xFFFFFC00, s3;
	s0 =	sadd.s32 s0, s29  }
0x13: {  	v61 =	vld [tilespmem:s31+$0x10];
	[tilespmem:s0+$0x3870 ss:$0x81] =	vst.msk $0xffff, v3;
	s1 =	sadd.s32 s3, s1  }
0x14: {  	v62 =	vld [tilespmem:s31+$0x20];
	s3 =	sshrl.u32 s1, $0x7;
	[tilespmem:s0+$0x810 ss:$0x81] =	vst.msk $0xffff, v5  }
0x15: {  	s3 =	smulhi.u32 $0x218A169, s3;
	[tilespmem:s0+$0x1020 ss:$0x81] =	vst.msk $0xffff, v58  }
0x16: {  	[tilespmem:s0+$0x1830 ss:$0x81] =	vst.msk $0xffff, v59  }
0x17: {  	[tilespmem:s0+$0x2040 ss:$0x81] =	vst.msk $0xffff, v60;
	s3 =	sshrl.u32 s3, $0x3  }
0x18: {  	v63 =	vld [tilespmem:s31+$0xFFFFFFC0];
	s20 =	sand.u32 $0x7F, s19;
	[tilespmem:s0+$0x2850 ss:$0x81] =	vst.msk $0xffff, v61;
	s29 =	smul.u32 $0x1E880, s3  }
0x19: {  	s1 =	sor.u32 s20, s1;
	[tilespmem:s0+$0x3060 ss:$0x81] =	vst.msk $0xffff, v62  }
0x1a: {  	s30 =	rddreg [dreg:$0x2];
	s3 =	sand.u32 $0x1F, s3;
	s1 =	ssub.s32 s1, s29  }
0x1b: {  	s3 =	smul.u32 $0x3D10, s3;
	s19 =	sshrl.u32 s1, $0x3;
	s1 =	sand.u32 $0x7, s1  }
0x1c: {  	s20 =	sadd.s32 s30, s19;
	s1 =	sshll.u32 s1, $0x12  }
0x1d: {  	[tilespmem:s0+$0x0 ss:$0x81] =	vst.msk $0xffff, v63;
	s31 =	sadd.s32 s3, s20;
	s1 =	sor.u32 $0x400, s1;
	s20 =	sadd.s32 s3, s6  }
0x1e: {  	[hbm4b:s31+s1] =	stream.strided.scatter [tilespmem:s28], [sflag:$0x2], $0x800, s16, s1, $0x20;
	[tilespmem:$0x10100] =	vst v63  }
0x1f: {  	s0 =	sadd.s32 s19, s20  }
0x20: {  	[hbm4b:s0+s1] =	stream.strided.scatter [tilespmem:s26], [sflag:$0x2], $0x800, s16, s1, $0x20;
	[tilespmem:$0x10100] =	vst v63  }
0x21: {  	s26 =	sadd.s32 s3, s8  }
0x22: {  	s0 =	sadd.s32 s19, s26  }
0x23: {  	[hbm4b:s0+s1] =	stream.strided.scatter [tilespmem:s27], [sflag:$0x2], $0x800, s16, s1, $0x20;
	[tilespmem:$0x10100] =	vst v63  }
0x24: {  	s27 =	sadd.s32 s3, s9  }
0x25: {  	s28 =	sadd.s32 s3, s11;
	s0 =	sadd.s32 s19, s27  }
0x26: {  	[hbm4b:s0+s1] =	stream.strided.scatter [tilespmem:s25], [sflag:$0x2], $0x800, s16, s1, $0x20;
	[tilespmem:$0x10100] =	vst v63  }
0x27: {  	s29 =	sadd.s32 s3, s12;
	s0 =	sadd.s32 s19, s28  }
0x28: {  	[hbm4b:s0+s1] =	stream.strided.scatter [tilespmem:s23], [sflag:$0x2], $0x800, s16, s1, $0x20;
	[tilespmem:$0x10100] =	vst v63  }
0x29: {  	s30 =	sadd.s32 s3, s13;
	s0 =	sadd.s32 s19, s29  }
0x2a: {  	[hbm4b:s0+s1] =	stream.strided.scatter [tilespmem:s24], [sflag:$0x2], $0x800, s16, s1, $0x20;
	[tilespmem:$0x10100] =	vst v63  }
0x2b: {  	s31 =	sadd.s32 s3, s14;
	s0 =	sadd.s32 s19, s30  }
0x2c: {  	[hbm4b:s0+s1] =	stream.strided.scatter [tilespmem:s21], [sflag:$0x2], $0x800, s16, s1, $0x20;
	[tilespmem:$0x10100] =	vst v63  }
0x2d: {  	s0 =	sadd.s32 s19, s31  }
0x2e: {  	[hbm4b:s0+s1] =	stream.strided.scatter [tilespmem:s22], [sflag:$0x2], $0x800, s16, s1, $0x20;
	[tilespmem:$0x10100] =	vst v63  }
.LBB1_5:
0x2f: {  	s1 =	sadd.s32 $0x800, s17  }
0x30: {  	p2 =	sgt.s32 s1, $0x1E847  }
0x31: {  	s1 =	smov.u32 @p2 s5;
	p2 =	sne.s32 s18, s15  }
.Ltmp1:
0x32: {  	p1 =	slt.u32 s18, $0x2;
	(pc) =	sbr.rel @!p2 .LBB1_6-.Ltmp1, $4  }
0x33: {  	s0 =	simm.s32 @!p1 $0x2  }
0x34: {  	s3 =	sadd.s32 $0x1, s18;
	s19 =	smov.u32 s17;
	_ =	swait.ge @!p1 [sflag:s0], $0x4000  }
0x35: {  	p0 =	por !p0, !p0;
	s20 =	smov.u32 s2;
	[sflag:s0] =	ssyncset.done @!p1 $0x0  }
0x36: {  	s18 =	smov.u32 s3;
	s17 =	smov.u32 s1;
	[sflag:s0] =	ssyncadd.s32 @!p1 $0xFFFFC000  }
.LBB1_1:
0x37: {  	p1 =	sge.u32 s18, s10  }
0x38: {  	p2 =	sgt.s32 @!p1 s17, $0x1E7C8  }
0x39: {  	s0 =	smov.u32 s17;
	s1 =	sshra.s32 @!p1 s17, $0x1F;
	p2 =	por !p2, p1  }
0x3a: {  	s1 =	sand.u32 @!p1 s1, s17;
	s0 =	simm.s32 @p2 $0x1E7C8  }
0x3b: {  	s0 =	ssub.s32 @!p1 s0, s1  }
0x3c: {  	s31 =	sadd.s32 $0xFFFFFFFF, s18;
	s21 =	sxor.u32 @!p1 $0xFFFFFFFF, s18;
	s0 =	sadd.s32 @!p1 $0xFFFE1838, s0  }
0x3d: {  	s22 =	simm.s32 @!p1 $0x10;
	s23 =	simm.s32 @!p1 $0x80;
	s1 =	sshll.u32 @!p1 s0, $0x7  }
0x3e: {  	p2 =	sgt.s32 @!p1 s0, $0x7F;
	s0 =	ssub.s32 @!p1 $0x4000, s1;
	s1 =	sshll.u32 @!p1 s21, $0xE  }
0x3f: {  	p2 =	por !p2, p1;
	s21 =	sshll.u32 @!p1 s17, $0x7;
	s0 =	sand.u32 @!p1 $0x3FFFFF80, s0  }
0x40: {  	s1 =	sand.u32 @!p1 $0x4000, s1;
	s21 =	sadd.s32 @!p1 s21, s7;
	s0 =	simm.s32 @!p2 $0x0  }
0x41: {  	[tilespmem:s1], [sflag:$0x1] =	stream.strided.gather @!p1 [hbm4b:s21+s22], s0, s23, s22, $0x38;
	[tilespmem:$0x10100] =	vst v63  }
0x42: {  	p1 =	sge.u32 s31, s10  }
.Ltmp2:
0x43: {  	_ = 	snop;
	(pc) =	sbr.rel @p1 .LBB1_5-.Ltmp2, $1  }
0x44: {  	_ =	sdelay $0x3  }
0x45: {  	p1 =	sgt.s32 s19, $0x1E7C8;
	s0 =	smov.u32 s19;
	s1 =	sshra.s32 s19, $0x1F  }
0x46: {  	s0 =	simm.s32 @!p1 $0x1E7C8;
	s1 =	sand.u32 s1, s19  }
0x47: {  	s0 =	ssub.s32 s0, s1  }
0x48: {  	s0 =	sadd.s32 $0xFFFE1838, s0  }
0x49: {  	s24 =	sshll.u32 s0, $0x7  }
0x4a: {  	s1 =	ssub.s32 $0x4000, s24  }
0x4b: {  	p1 =	sgt.s32 s0, $0x7F;
	s0 =	sand.u32 $0x3FFFFF80, s1  }
0x4c: {  	s1 =	simm.s32 $0x1;
	s0 =	simm.s32 @p1 $0x0  }
0x4d: {  	s1 =	simm.s32 @!p0 $0x0;
	_ =	swait.ge [sflag:s4], s0  }
0x4e: {  	s21 =	sshll.u32 s1, $0xE;
	s0 =	ssub.s32 $0x0, s0;
	[sflag:s4] =	ssyncset.done $0x0  }
0x4f: {  	s22 =	sor.u32 $0x40, s21;
	[sflag:s4] =	ssyncadd.s32 s0  }
0x50: {  	s25 =	smul.u32 $0x10200, s1;
	v1 =	vld [tilespmem:s22+$0x30]  }
0x51: {  	v3 =	vld [tilespmem:s22+$0xFFFFFFD0]  }
0x52: {  	s26 =	sand.u32 $0x1, s18;
	s0 =	sshrl.u32 s25, $0x2;
	v5 =	vld [tilespmem:s22+$0xFFFFFFE0]  }
0x53: {  	s1 =	smul.u32 $0x10200, s26;
	s29 =	sor.u32 $0x8000, s0;
	v6 =	vld [tilespmem:s22+$0xFFFFFFF0]  }
0x54: {  	v0 =	vld [tilespmem:s22+$0x0];
	s30 =	sadd.s32 $0x0, s29  }
0x55: {  	s3 =	sshrl.u32 s1, $0x2;
	s31 =	sadd.s32 $0x80, s22;
	s1 =	simm.s32 $0x8;
	v2 =	vld [tilespmem:s22+$0x10];
	[tilespmem:s30+$0x3870 ss:$0x81] =	vst.msk $0xffff, v1  }
0x56: {  	s28 =	sor.u32 $0x8000, s3;
	s26 =	sadd.s32 $0x8810, s3;
	s27 =	sadd.s32 $0x9020, s3;
	v4 =	vld [tilespmem:s22+$0x20];
	[tilespmem:s30+$0x810 ss:$0x81] =	vst.msk $0xffff, v3  }
0x57: {  	s25 =	sadd.s32 $0x9830, s3;
	s23 =	sadd.s32 $0xA040, s3;
	s24 =	sadd.s32 $0xA850, s3;
	v1 =	vld [tilespmem:s22+$0xFFFFFFC0];
	[tilespmem:s30+$0x1020 ss:$0x81] =	vst.msk $0xffff, v5  }
0x58: {  	s21 =	sadd.s32 $0xB060, s3;
	s0 =	simm.s32 $0x4;
	s22 =	sadd.s32 $0xB870, s3;
	v3 =	vld [tilespmem:s31+$0x30];
	[tilespmem:s30+$0x1830 ss:$0x81] =	vst.msk $0xffff, v6  }
.LBB1_3:
0x59: {  	p1 =	sne.s32 s1, $0x1FC;
	v5 =	vld [tilespmem:s31+$0xFFFFFFD0];
	[tilespmem:s30+$0x2040 ss:$0x81] =	vst.msk $0xffff, v0  }
0x5a: {  	v6 =	vld [tilespmem:s31+$0xFFFFFFE0];
	[tilespmem:s30+$0x2850 ss:$0x81] =	vst.msk $0xffff, v2  }
0x5b: {  	s3 =	sshra.s32 s0, $0x2;
	s0 =	smov.u32 s1;
	v7 =	vld [tilespmem:s31+$0xFFFFFFF0];
	[tilespmem:s30+$0x3060 ss:$0x81] =	vst.msk $0xffff, v4  }
.Ltmp3:
0x5c: {  	v0 =	vld [tilespmem:s31+$0x0];
	[tilespmem:s30+$0x0 ss:$0x81] =	vst.msk $0xffff, v1;
	s30 =	sadd.s32 s3, s29;
	(pc) =	sbr.rel @p1 .LBB1_3-.Ltmp3, $4  }
0x5d: {  	v2 =	vld [tilespmem:s31+$0x10];
	[tilespmem:s30+$0x3870 ss:$0x81] =	vst.msk $0xffff, v3  }
0x5e: {  	[tilespmem:s30+$0x810 ss:$0x81] =	vst.msk $0xffff, v5;
	v4 =	vld [tilespmem:s31+$0x20]  }
0x5f: {  	v1 =	vld [tilespmem:s31+$0xFFFFFFC0];
	[tilespmem:s30+$0x1020 ss:$0x81] =	vst.msk $0xffff, v6;
	s31 =	sadd.s32 $0x80, s31  }
0x60: {  	s1 =	sadd.s32 $0x4, s1;
	v3 =	vld [tilespmem:s31+$0x30];
	[tilespmem:s30+$0x1830 ss:$0x81] =	vst.msk $0xffff, v7  }
.Ltmp4:
0x61: {  	_ = 	snop;
	(pc) =	sbr.rel .LBB1_4-.Ltmp4, $1  }
0x62: {  	_ =	sdelay $0x3  }
.LBB1_6:
0x63: {  	_ =	sfence.sel $0x180000  }
0x64: {  	s0 =	simm.s32 $0x1;
	[bflag:$0x0] =	sbarrier.arrive $0xFFFF  }
0x65: {  	s30 =	simm.s32 $0x2;
	[sflag:s0] =	ssyncpa.u1 $0x1  }
0x66: {  	[sflag:s30] =	ssyncpa.u1 $0x1  }
0x67: {  	_ =	strace $0x90000047  }
0x68: {  	s31 =	stileid.u32;
	[bflag:$0x2] =	sbarrier.arrive $0xFFFF  }
0x69: {  	p0 =	sne.s32 s31, $0x0;
	s0 =	rddreg [dreg:$0x1]  }
0x6a: {  	s0 =	sadd.s32 @!p0 $0x100000, s0  }
0x6b: {  	[sflag:s0] =	ssyncadd.tile.s32 @!p0 $0x1;
	_ =	shalt  }
.Lfunc_end1:
_tile_overlayer_lowered:
.L_overlay_start_2:
0x6c: {  	(tag) =	ssettag $0x2  }
0x6d: {  	s0 =	rddreg [dreg:$0x0];
	s2 =	stileid.u32  }
0x6e: {  	s1 =	rddreg [dreg:$0x1];
	p0 =	sne.s32 s2, $0x0  }
0x6f: {  	s3 =	rddreg [dreg:$0x2];
	[bflag:$0x3] =	sbarrier.arrive $0xFFFF;
	s2 =	simm.s32 @!p0 $0x1C01  }
0x70: {  	[timem:s3], [sflag:s2] =	dma.local @!p0 [hbm:s0], s1  }
0x71: {  	s0 =	simm.s32 @!p0 $0x1  }
0x72: {  	_ =	swait.ge @!p0 [sflag:s0], s1  }
0x73: {  	s1 =	ssub.s32 @!p0 $0x0, s1;
	[sflag:s0] =	ssyncset.done @!p0 $0x0  }
0x74: {  	[sflag:s0] =	ssyncadd.s32 @!p0 s1  }
0x75: {  	[bflag:$0x3] =	sbarrier.arrive $0xFFFF  }
0x76: {  	_ =	shalt  }

</sc_bundles>
